<compile_context>
chip_gen: v7x
topology: tpu7x:2x2x1
jax: 0.10.2.dev20260603
libtpu: 0.0.44.dev20260713+nightly
codegen_flags: <defaults>
</compile_context>

<pallas_src>
import functools

import jax
import jax.numpy as jnp
from jax import lax
from jax.experimental import pallas as pl
from jax.experimental.pallas import tpu as pltpu
from jax.experimental.pallas import tpu_sc as plsc

_N = 16384
_mesh = plsc.VectorSubcoreMesh(core_axis_name="c", subcore_axis_name="s")


@functools.partial(
    pl.kernel,
    mesh=_mesh,
    compiler_params=pltpu.CompilerParams(needs_layout_passes=False),
    out_type=jax.ShapeDtypeStruct((32, 16), jnp.float32),
    scratch_types=[
        pltpu.VMEM((16,), jnp.float32),
        pltpu.SemaphoreType.DMA,
    ],
)
def _probe(x_hbm, out_hbm, stage, sem):
    wid = lax.axis_index("c") * 16 + lax.axis_index("s")
    pltpu.sync_copy(x_hbm.at[0, pl.ds(0, 16)], stage)
    stage[:] = stage[:] + 1.0
    pltpu.sync_copy(stage, out_hbm.at[wid])


def kernel(spikes):
    x2d = spikes.reshape(4 * 1100, _N)
    junk = _probe(x2d)
    out = pl.pallas_call(
        lambda x_ref, o_ref: o_ref.__setitem__((0, 0), jnp.sum(x_ref[...])),
        in_specs=[pl.BlockSpec((32, 16), lambda: (0, 0))],
        out_specs=pl.BlockSpec(memory_space=pltpu.SMEM),
        out_shape=jax.ShapeDtypeStruct((1, 1), jnp.float32),
    )(junk)
    return out[0, 0]

# --- scband reference (transcript-rebuilt; emitter-appended) ---
"""Pipeline reference for scband-synchronization-regularization-82660940579473 (READ-ONLY COPY).

The authoritative reference and input builder live on the scoring server;
editing this copy changes nothing except your own understanding.
"""

import jax, jax.numpy as jnp
import numpy as np

B, T, N = 4, 1100, 16384
PRE_DELAY = 50
POST_DELAY = 50
SYNC_COST = 10.0
TARGET_SYNC = 0.1
BIN_SIZE_MS = 20
TIME_RESOLUTION_MS = 1


def setup_inputs(seed: int = 0) -> dict:
    key = jax.random.key(seed)
    spikes = jax.random.uniform(key, (B, T, N), dtype=jnp.float32)
    return {"spikes": spikes}


def _spike_trimming(spikes, pre_delay=PRE_DELAY, post_delay=POST_DELAY, trim=True):
    pre = pre_delay or 0
    if trim:
        post = -post_delay if post_delay else None
        spikes = spikes[:, pre:post, :]
    else:
        spikes = spikes[:, pre:, :]
    return spikes


def _compute_synchronization_proxy(spikes, bin_size_ms=BIN_SIZE_MS, time_resolution_ms=TIME_RESOLUTION_MS):
    # spikes: [B, T, N] -> use first batch element, as in the TF module
    x = spikes[0]
    num_time_points = x.shape[0]
    num_neurons = x.shape[1]
    bin_size_points = bin_size_ms // time_resolution_ms
    num_bins = num_time_points // bin_size_points
    x = x[: num_bins * bin_size_points]
    x = x.reshape(num_bins, bin_size_points, num_neurons)
    spike_counts_per_bin = jnp.sum(x, axis=1)  # [num_bins, N]
    active_neurons_per_bin = jnp.sum((spike_counts_per_bin != 0).astype(jnp.float32), axis=1)
    fraction_active_per_bin = active_neurons_per_bin / jnp.float32(num_neurons)
    max_fraction_active = jnp.max(fraction_active_per_bin)
    return max_fraction_active


def reference(spikes):
    s = _spike_trimming(spikes, PRE_DELAY, POST_DELAY, trim=True)
    proxy = _compute_synchronization_proxy(s)
    sync_loss = jnp.float32(SYNC_COST) * jnp.square(proxy - jnp.float32(TARGET_SYNC))
    return sync_loss

if __name__ == "__main__":
    import jax
    _d = setup_inputs()
    print(jax.jit(kernel)(*tuple(_d.values())))

</pallas_src>

<mosaic_0001>
#map = affine_map<(d0, d1) -> (0, 0)>
module attributes {stable_mosaic.version = 14 : i64} {
  func.func @_probe(%arg0: i32, %arg1: i32, %arg2: memref<4400x16384xf32, #tpu.memory_space<hbm>>, %arg3: memref<32x16xf32, #tpu.memory_space<hbm>>, %arg4: memref<16xf32, #tpu.memory_space<vmem>>, %arg5: memref<!tpu.dma_semaphore, #tpu.memory_space<semaphore_mem>>) attributes {dimension_semantics = [#tpu.dimension_semantics<core_parallel>, #tpu.dimension_semantics<subcore_parallel>], iteration_bounds = array<i64: 2, 16>, scalar_prefetch = 0 : i64, scratch_operands = 2 : i64, tpu.core_type = #tpu.core_type<sc_vector_subcore>, window_params = [{transform_indices = #map}, {transform_indices = #map}]} {
    %mul3A = arith.constant 16 : i32
    %mul3A_0 = arith.muli %arg0, %mul3A : i32
    %add3A = arith.addi %mul3A_0, %arg1 : i32
    %run_scoped3A = arith.constant 0 : i32
    "tpu.region"() ({
      %run_scoped3A_6 = tpu.sem_alloc : memref<!tpu.dma_semaphore, #tpu.memory_space<semaphore_mem>>
      %dma_start3A = arith.constant 0 : i32
      %dma_start3A_7 = tpu.memref_slice %arg2[%run_scoped3A, %dma_start3A] : memref<4400x16384xf32, #tpu.memory_space<hbm>> -> memref<1x16xf32, #tpu.memory_space<hbm>>
      %dma_start3A_8 = tpu.memref_squeeze %dma_start3A_7 : memref<1x16xf32, #tpu.memory_space<hbm>> -> memref<16xf32, #tpu.memory_space<hbm>>
      %dma_start3A_9 = arith.constant 0 : i32
      %dma_start3A_10 = tpu.memref_slice %arg2[%run_scoped3A, %dma_start3A_9] : memref<4400x16384xf32, #tpu.memory_space<hbm>> -> memref<1x16xf32, #tpu.memory_space<hbm>>
      %dma_start3A_11 = tpu.memref_squeeze %dma_start3A_10 : memref<1x16xf32, #tpu.memory_space<hbm>> -> memref<16xf32, #tpu.memory_space<hbm>>
      tpu.enqueue_dma source(%dma_start3A_11 : memref<16xf32, #tpu.memory_space<hbm>>) target(%arg4 : memref<16xf32, #tpu.memory_space<vmem>>) target_semaphore(%run_scoped3A_6 : memref<!tpu.dma_semaphore, #tpu.memory_space<semaphore_mem>>)
      %dma_wait3A = arith.constant 0 : i32
      %dma_wait3A_12 = tpu.memref_slice %arg2[%run_scoped3A, %dma_wait3A] : memref<4400x16384xf32, #tpu.memory_space<hbm>> -> memref<1x16xf32, #tpu.memory_space<hbm>>
      %dma_wait3A_13 = tpu.memref_squeeze %dma_wait3A_12 : memref<1x16xf32, #tpu.memory_space<hbm>> -> memref<16xf32, #tpu.memory_space<hbm>>
      %dma_wait3A_14 = arith.constant 0 : i32
      %dma_wait3A_15 = tpu.memref_slice %arg2[%run_scoped3A, %dma_wait3A_14] : memref<4400x16384xf32, #tpu.memory_space<hbm>> -> memref<1x16xf32, #tpu.memory_space<hbm>>
      %dma_wait3A_16 = tpu.memref_squeeze %dma_wait3A_15 : memref<1x16xf32, #tpu.memory_space<hbm>> -> memref<16xf32, #tpu.memory_space<hbm>>
      tpu.wait_dma2 semaphore(%run_scoped3A_6 : memref<!tpu.dma_semaphore, #tpu.memory_space<semaphore_mem>>) src(%dma_wait3A_16 : memref<16xf32, #tpu.memory_space<hbm>>) dst(%arg4 : memref<16xf32, #tpu.memory_space<vmem>>)
      tpu.yield
    }) : () -> ()
    %get3A = arith.constant 0 : index
    %get3A_1 = tpu.vector_load %arg4[%get3A] {strides = array<i32>} : memref<16xf32, #tpu.memory_space<vmem>>, vector<16xf32>,
    %add3A_2 = arith.constant 1.000000e+00 : f32
    %add3A_3 = vector.broadcast %add3A_2 : f32 to vector<16xf32>
    %add3A_4 = arith.addf %get3A_1, %add3A_3 : vector<16xf32>
    %swap3A = arith.constant 0 : index
    %swap3A_5 = tpu.vector_load %arg4[%swap3A] {strides = array<i32>} : memref<16xf32, #tpu.memory_space<vmem>>, vector<16xf32>,
    tpu.vector_store %arg4[%swap3A], %add3A_4 {strides = array<i32>} : memref<16xf32, #tpu.memory_space<vmem>>, vector<16xf32>,
    "tpu.region"() ({
      %run_scoped3A_6 = tpu.sem_alloc : memref<!tpu.dma_semaphore, #tpu.memory_space<semaphore_mem>>
      %dma_start3A = arith.constant 0 : i32
      %dma_start3A_7 = tpu.memref_slice %arg3[%add3A, %dma_start3A] : memref<32x16xf32, #tpu.memory_space<hbm>> -> memref<1x16xf32, #tpu.memory_space<hbm>>
      %dma_start3A_8 = tpu.memref_squeeze %dma_start3A_7 : memref<1x16xf32, #tpu.memory_space<hbm>> -> memref<16xf32, #tpu.memory_space<hbm>>
      %dma_start3A_9 = arith.constant 0 : i32
      %dma_start3A_10 = tpu.memref_slice %arg3[%add3A, %dma_start3A_9] : memref<32x16xf32, #tpu.memory_space<hbm>> -> memref<1x16xf32, #tpu.memory_space<hbm>>
      %dma_start3A_11 = tpu.memref_squeeze %dma_start3A_10 : memref<1x16xf32, #tpu.memory_space<hbm>> -> memref<16xf32, #tpu.memory_space<hbm>>
      tpu.enqueue_dma source(%arg4 : memref<16xf32, #tpu.memory_space<vmem>>) target(%dma_start3A_11 : memref<16xf32, #tpu.memory_space<hbm>>) target_semaphore(%run_scoped3A_6 : memref<!tpu.dma_semaphore, #tpu.memory_space<semaphore_mem>>)
      %dma_wait3A = arith.constant 0 : i32
      %dma_wait3A_12 = tpu.memref_slice %arg3[%add3A, %dma_wait3A] : memref<32x16xf32, #tpu.memory_space<hbm>> -> memref<1x16xf32, #tpu.memory_space<hbm>>
      %dma_wait3A_13 = tpu.memref_squeeze %dma_wait3A_12 : memref<1x16xf32, #tpu.memory_space<hbm>> -> memref<16xf32, #tpu.memory_space<hbm>>
      %dma_wait3A_14 = arith.constant 0 : i32
      %dma_wait3A_15 = tpu.memref_slice %arg3[%add3A, %dma_wait3A_14] : memref<32x16xf32, #tpu.memory_space<hbm>> -> memref<1x16xf32, #tpu.memory_space<hbm>>
      %dma_wait3A_16 = tpu.memref_squeeze %dma_wait3A_15 : memref<1x16xf32, #tpu.memory_space<hbm>> -> memref<16xf32, #tpu.memory_space<hbm>>
      tpu.wait_dma2 semaphore(%run_scoped3A_6 : memref<!tpu.dma_semaphore, #tpu.memory_space<semaphore_mem>>) src(%arg4 : memref<16xf32, #tpu.memory_space<vmem>>) dst(%dma_wait3A_16 : memref<16xf32, #tpu.memory_space<hbm>>)
      tpu.yield
    }) : () -> ()
    return
  }
}

module attributes {stable_mosaic.version = 14 : i64} {
  func.func @_lambda_(%arg0: memref<32x16xf32, #tpu.memory_space<vmem>>, %arg1: memref<1x1xf32, #tpu.memory_space<smem>>) attributes {dimension_semantics = [], scalar_prefetch = 0 : i64, scratch_operands = 0 : i64, tpu.core_type = #tpu.core_type<tc>} {
    %get3A = arith.constant 0 : index
    %get3A_0 = arith.constant 0 : index
    %get3A_1 = vector.load %arg0[%get3A, %get3A_0] : memref<32x16xf32, #tpu.memory_space<vmem>>, vector<32x16xf32>
    %reduce_sum3A = vector.shape_cast %get3A_1 : vector<32x16xf32> to vector<1x32x16xf32>
    %reduce_sum3A_2 = arith.constant dense<0.000000e+00> : vector<1xf32>
    %reduce_sum3A_3 = vector.multi_reduction <add>, %reduce_sum3A, %reduce_sum3A_2 [1, 2] : vector<1x32x16xf32> to vector<1xf32>
    %reduce_sum3A_4 = vector.shape_cast %reduce_sum3A_3 : vector<1xf32> to vector<1x1x1xf32>
    %reduce_sum3A_5 = vector.extract %reduce_sum3A_4[0, 0, 0] : f32 from vector<1x1x1xf32>
    %swap3A = arith.constant 0 : index
    %swap3A_6 = arith.constant 0 : index
    %swap3A_7 = memref.load %arg1[%swap3A, %swap3A_6] : memref<1x1xf32, #tpu.memory_space<smem>>
    memref.store %reduce_sum3A_5, %arg1[%swap3A, %swap3A_6] : memref<1x1xf32, #tpu.memory_space<smem>>
    return
  }
}

</mosaic_0001>

<sc_bundles>
// kernel: kernel.4.cloned.1.call-start
scs
__scs_entry_jumppad:
0x0: {  	(pc) =	sbr.rel $0x88, $3  }
0x1: {  	(tag) =	ssettag $0x0;
	lr =	simm.s32 $0x1  }
0x2: {  	[smem:$0x3FA0] =	sst lr;
	_ =	strace $0xD0000000  }
0x3: {  	_ = 	snop  }
0x4: {  	_ = 	snop  }
0x5: {  	_ = 	snop  }
0x6: {  	_ = 	snop  }
0x7: {  	_ = 	snop  }
__scs_overlays_trampoline_lowered:
0x8: {  	[smem:$0x3FAF] =	sst s0  }
0x9: {  	[smem:$0x3FB0] =	sst s1  }
0xa: {  	[smem:$0x3FB1] =	sst s2  }
0xb: {  	[smem:$0x3FB2] =	sst s3  }
0xc: {  	[smem:$0x3FB3] =	sst s4  }
0xd: {  	[smem:$0x3FB4] =	sst s5  }
0xe: {  	[smem:$0x3FB5] =	sst s6  }
0xf: {  	[smem:$0x3FB6] =	sst s7  }
0x10: {  	[smem:$0x3FB7] =	sst s8  }
0x11: {  	[smem:$0x3FB8] =	sst s9;
	s0 =	simm.s32 @!p0 $0x0  }
0x12: {  	s1 =	sld [smem:$0x3F9E];
	s0 =	simm.s32 @p0 $0x1  }
0x13: {  	[smem:$0x3FB9] =	sst s0;
	s0 =	simm.s32 @!p1 $0x0  }
0x14: {  	s2 =	sld [smem:$0x3F9D];
	s0 =	simm.s32 @p1 $0x1  }
0x15: {  	[smem:$0x3FBA] =	sst s0;
	s0 =	simm.s32 @!p2 $0x0  }
0x16: {  	s3 =	sld [smem:$0x3FDB];
	s0 =	simm.s32 @p2 $0x1  }
0x17: {  	s4 =	simm.s32 $0x1BF5;
	[smem:$0x3FBC] =	sst s0  }
0x18: {  	s0 =	sld [smem:$0x3F9F];
	_ =	swait.ge [sflag:s4], $0x0  }
0x19: {  	s7 =	sld [smem:$0x3FA0]  }
0x1a: {  	s8 =	sadd.s32 $0xFFFFE003, lr  }
0x1b: {  	s9 =	sadd.s32 $0xFFFFFEF7, lr;
	s5 =	simm.s32 $0xFFFFFFFF;
	p2 =	slt.u32 s8, $0xFFFFF086  }
0x1c: {  	p1 =	slt.u32 s9, $0xF7A;
	s5 =	simm.s32 @!p2 $0x0  }
0x1d: {  	s5 =	simm.s32 @p1 $0x1;
	p0 =	seq.s32 s7, s2  }
0x1e: {  	s7 =	smul.u32 @!p0 $0xF7A, s2;
	p2 =	seq.s32 @!p0 s5, $0x0  }
0x1f: {  	s9 =	smul.u32 $0xF7A, s1;
	s8 =	simm.s32 @!p0 $0x1BF5;
	p2 =	por !p2, p0  }
0x20: {  	[sflag:s8] =	ssyncset.s32 @!p0 $0xFFFFF086;
	s6 =	sadd.s32 @!p0 s3, s7;
	s7 =	simm.s32 @!p0 $0x108  }
0x21: {  	s3 =	sadd.s32 s3, s9;
	s6 =	sadd.s32 @!p0 $0x88, s6;
	s7 =	simm.s32 @p2 $0x1082  }
0x22: {  	[simem:s7], [sflag:s8] =	dma.local @!p0 [hbm:s6], $0xF7A  }
0x23: {  	s9 =	sor.u32 $0xD0000000, s2;
	s6 =	simm.s32 $0x108;
	_ =	swait.ge @!p0 [sflag:s8], $0x0  }
0x24: {  	s3 =	sadd.s32 $0x88, s3;
	s6 =	simm.s32 @!p1 $0x1082;
	[sflag:s4] =	ssyncset.s32 $0xFFFFF086  }
0x25: {  	[simem:s6], [sflag:s4] =	dma.local [hbm:s3], $0xF7A  }
0x26: {  	[smem:$0x3FA0] =	sst s1;
	(tag) =	ssettag s2;
	_ =	strace s9  }
0x27: {  	s1 =	sld [smem:$0x3FB0]  }
0x28: {  	s2 =	sld [smem:$0x3FB1]  }
0x29: {  	s4 =	sld [smem:$0x3FB3]  }
0x2a: {  	p0 =	seq.s32 s5, $0x0;
	s5 =	sld [smem:$0x3FB4]  }
0x2b: {  	s6 =	sld [smem:$0x3FB5]  }
0x2c: {  	s7 =	sld [smem:$0x3FB6]  }
0x2d: {  	s3 =	simm.s32 $0x108;
	s8 =	sld [smem:$0x3FB7]  }
0x2e: {  	s3 =	simm.s32 @!p0 $0x1082;
	s9 =	sld [smem:$0x3FB8]  }
0x2f: {  	lr =	sadd.s32 s0, s3;
	s0 =	sld [smem:$0x3FAF]  }
0x30: {  	s3 =	sld [smem:$0x3FB2]  }
0x31: {  	[smem:$0x3FBB] =	sst s10  }
0x32: {  	s10 =	sld [smem:$0x3FB9];
	_ =	sdelay $0x3  }
0x33: {  	p0 =	seq.s32 s10, $0x1;
	s10 =	sld [smem:$0x3FBB];
	_ =	sdelay $0x3  }
0x34: {  	[smem:$0x3FBB] =	sst s10  }
0x35: {  	s10 =	sld [smem:$0x3FBA];
	_ =	sdelay $0x3  }
0x36: {  	p1 =	seq.s32 s10, $0x1;
	s10 =	sld [smem:$0x3FBB];
	_ =	sdelay $0x3  }
0x37: {  	[smem:$0x3FBB] =	sst s10  }
0x38: {  	s10 =	sld [smem:$0x3FBC]  }
0x39: {  	_ = 	snop;
	(pc) =	sbr.ind lr, $3  }
0x3a: {  	_ = 	snop  }
0x3b: {  	_ = 	snop  }
0x3c: {  	p2 =	seq.s32 s10, $0x1;
	s10 =	sld [smem:$0x3FBB]  }
0x3d: {  	_ =	shalt  }
0x3e: {  	_ =	shalt  }
0x3f: {  	_ =	shalt  }
0x40: {  	_ =	shalt  }
0x41: {  	_ =	shalt  }
0x42: {  	_ =	shalt  }
0x43: {  	_ =	shalt  }
0x44: {  	_ =	shalt  }
0x45: {  	_ =	shalt  }
0x46: {  	_ =	shalt  }
0x47: {  	_ =	shalt  }
0x48: {  	_ =	shalt  }
0x49: {  	_ =	shalt  }
0x4a: {  	_ =	shalt  }
0x4b: {  	_ =	shalt  }
0x4c: {  	_ =	shalt  }
0x4d: {  	_ =	shalt  }
0x4e: {  	_ =	shalt  }
0x4f: {  	_ =	shalt  }
0x50: {  	_ =	shalt  }
0x51: {  	_ =	shalt  }
0x52: {  	_ =	shalt  }
0x53: {  	_ =	shalt  }
0x54: {  	_ =	shalt  }
0x55: {  	_ =	shalt  }
0x56: {  	_ =	shalt  }
0x57: {  	_ =	shalt  }
0x58: {  	_ =	shalt  }
0x59: {  	_ =	shalt  }
0x5a: {  	_ =	shalt  }
0x5b: {  	_ =	shalt  }
0x5c: {  	_ =	shalt  }
0x5d: {  	_ =	shalt  }
0x5e: {  	_ =	shalt  }
0x5f: {  	_ =	shalt  }
0x60: {  	_ =	shalt  }
0x61: {  	_ =	shalt  }
0x62: {  	_ =	shalt  }
0x63: {  	_ =	shalt  }
0x64: {  	_ =	shalt  }
0x65: {  	_ =	shalt  }
0x66: {  	_ =	shalt  }
0x67: {  	_ =	shalt  }
0x68: {  	_ =	shalt  }
0x69: {  	_ =	shalt  }
0x6a: {  	_ =	shalt  }
0x6b: {  	_ =	shalt  }
0x6c: {  	_ =	shalt  }
0x6d: {  	_ =	shalt  }
0x6e: {  	_ =	shalt  }
0x6f: {  	_ =	shalt  }
0x70: {  	_ =	shalt  }
0x71: {  	_ =	shalt  }
0x72: {  	_ =	shalt  }
0x73: {  	_ =	shalt  }
0x74: {  	_ =	shalt  }
0x75: {  	_ =	shalt  }
0x76: {  	_ =	shalt  }
0x77: {  	_ =	shalt  }
0x78: {  	_ =	shalt  }
0x79: {  	_ =	shalt  }
0x7a: {  	_ =	shalt  }
0x7b: {  	_ =	shalt  }
0x7c: {  	_ =	shalt  }
0x7d: {  	_ =	shalt  }
0x7e: {  	_ =	shalt  }
0x7f: {  	_ =	shalt  }
0x80: {  	_ =	shalt  }
0x81: {  	_ =	shalt  }
0x82: {  	_ =	shalt  }
0x83: {  	_ =	shalt  }
0x84: {  	_ =	shalt  }
0x85: {  	_ =	shalt  }
0x86: {  	_ =	shalt  }
0x87: {  	_ =	shalt  }
.Lfunc_end0:
.L_simem_size_0:
called_computation_lowered:
.L_overlay_start_0:
0x88: {  	s2 =	sld [smem:$0x3FD9]  }
0x89: {  	s3 =	sld [smem:$0x3FFE];
	_ =	sdelay $0x1  }
0x8a: {  	s1 =	srdreg.scid  }
0x8b: {  	s0 =	sand.u32 $0x1, s1  }
0x8c: {  	s16 =	sshll.u32 s0, $0xA;
	s2 =	sadd.s32 s3, s2  }
0x8d: {  	s2 =	sadd.s32 s2, s16  }
0x8e: {  	[smem:$0x3FC7] =	sst s2  }
0x8f: {  	_ = 	snop  }
0x90: {  	(tm) =	ssettm $0x1  }
0x91: {  	s17 =	sld [smem:$0x3FFB];
	_ =	sdelay $0x3  }
0x92: {  	_ =	strace s17  }
0x93: {  	s2 =	sld [smem:$0x3FFC];
	_ =	sdelay $0x3  }
0x94: {  	_ =	strace s2  }
0x95: {  	s2 =	sld [smem:$0x3FFD];
	_ =	sdelay $0x3  }
0x96: {  	_ =	strace s2  }
0x97: {  	_ =	strace $0x8FFFFFFF  }
0x98: {  	s18 =	sld [smem:$0x3FDB];
	_ =	sdelay $0x1  }
0x99: {  	s19 =	simm.s32 $_scs_section_size  }
0x9a: {  	s4 =	simm.s32 $_size__tile_overlayer_lowered;
	s5 =	simm.s32 $_tile_overlayer_lowered  }
0x9b: {  	s22 =	simm.s32 $0x1BFF;
	s21 =	sshll.u32 s5, $0x1;
	s2 =	sadd.s32 s19, s18  }
0x9c: {  	s6 =	simm.s32 $0x0;
	s20 =	sshll.u32 s4, $0x1;
	s4 =	sadd.s32 s21, s2  }
0x9d: {  	[timem:s6], [sflag:s22] =	dma.local [hbm:s4], s20  }
0x9e: {  	_ =	swait.ge [sflag:s22], s20  }
0x9f: {  	s3 =	ssub.s32 $0x0, s20;
	[sflag:s22] =	ssyncset.done $0x0  }
0xa0: {  	[sflag:s22] =	ssyncadd.s32 s3;
	_ =	sdelay $0x1  }
0xa1: {  	s23 =	simm.s32 $0x1B8B  }
0xa2: {  	_ =	swait.ge [sflag:s23], $0x1  }
0xa3: {  	[sflag:s23] =	ssyncset.done $0x0  }
0xa4: {  	s25 =	simm.s32 $0x1B8E;
	s24 =	sld [smem:$0x3FFE];
	[sflag:s23] =	ssyncadd.s32 $0xFFFFFFFF  }
0xa5: {  	s26 =	simm.s32 $execute0_lowered;
	[smem:$0x3FD2] =	sst s25  }
0xa6: {  	s4 =	sshll.u32 s26, $0x1;
	_ =	strace $0x80000046;
	[dreg:$0x1] =	wrdreg $0xFFFFFFFF  }
0xa7: {  	s28 =	simm.s32 $_size_execute0_lowered;
	s2 =	sadd.s32 s2, s4;
	[dreg:$0x0] =	wrdreg $0x0  }
0xa8: {  	s4 =	sshll.u32 s28, $0x1;
	[dreg:$0x2] =	wrdreg s2  }
0xa9: {  	[dreg:$0x3] =	wrdreg s4  }
0xaa: {  	[dreg:$0x4] =	wrdreg $0xC0  }
0xab: {  	_ =	task [dreg:s6], $0x5FFFF  }
0xac: {  	[dreg:$0x1] =	wrdreg $0xFFFFFFFF  }
0xad: {  	[dreg:$0x0] =	wrdreg $0x60  }
0xae: {  	[dreg:$0x2] =	wrdreg s24  }
0xaf: {  	[dreg:$0x3] =	wrdreg $0x9  }
0xb0: {  	_ =	task.clear_ibuf [dreg:s6], $0x4FFFF;
	_ =	strace $0x90000046  }
0xb1: {  	s29 =	simm.s32 $0x9;
	_ =	strace $0x80000048  }
0xb2: {  	_ =	swait.ge [sflag:s29], $0x1  }
0xb3: {  	[sflag:s29] =	ssyncadd.s32 $0xFFFFFFFF  }
0xb4: {  	_ =	strace $0x90000048  }
0xb5: {  	_ =	sfence  }
0xb6: {  	s30 =	sld [smem:$0x0];
	_ =	sdelay $0x2  }
0xb7: {  	s31 =	sshll.u32 s1, $0xD;
	s1 =	sshrl.u32 s1, $0x2  }
0xb8: {  	s3 =	sand.u32 $0x4000, s31;
	s1 =	sadd.s32 s1, s30  }
0xb9: {  	s0 =	sor.u32 s3, s0;
	s1 =	sshll.u32 s1, $0x11  }
0xba: {  	s0 =	sor.u32 s1, s0  }
0xbb: {  	s0 =	sadd.s32 $0x8F2B, s0  }
0xbc: {  	[sflag:s0] =	ssyncadd.remote.s32 $0x1  }
0xbd: {  	_ =	sfence.sel $0xFFFF  }
0xbe: {  	[dreg:$0x0] =	wrdreg $0xFFFFFFFF;
	(pc) =	sbr.abs _section_cstart, $3  }
0xbf: {  	[dreg:$0x1] =	wrdreg $0xFFFFFFFF  }
0xc0: {  	_ =	task.clear_ibuf [dreg:s6], $0x2FFFF;
	_ =	strace $0x9FFFFFFF  }
0xc1: {  	(tm) =	ssettm $0x7FFFFFFF  }
tec
execute0_lowered:
.L_overlay_start_1:
0x0: {  	(tag) =	ssettag $0x1  }
0x1: {  	s5 =	rddreg [dreg:$0x0]  }
0x2: {  	s0 =	rddreg [dreg:$0x1];
	s1 =	simm.s32 $0x0  }
0x3: {  	[smem:$0x7FF] =	sst s1  }
0x4: {  	s2 =	simm.s32 $0x1;
	s3 =	sadd.s32 $0x8A0600, s5;
	_ =	strace $0x80000047  }
0x5: {  	[tilespmem:s1], [sflag:$0x1] =	stream.linear.gather [hbm4b:s3+s1], $0x10, $0x38;
	[tilespmem:$0x80] =	vst v63  }
0x6: {  	_ =	swait.ge [sflag:s2], $0x10  }
0x7: {  	[sflag:s2] =	ssyncset.done $0x0  }
0x8: {  	s6 =	srdreg.scid;
	[sflag:s2] =	ssyncadd.s32 $0xFFFFFFF0  }
0x9: {  	s6 =	sand.u32 $0x1, s6;
	v0 =	vld [tilespmem:$0x0]  }
0xa: {  	s4 =	stileid.u32;
	s8 =	ssub.s32 $0x2, s6  }
0xb: {  	s7 =	sshll.u32 s4, $0x4;
	s30 =	sshrl.u32 s8, $0x1  }
0xc: {  	s5 =	sadd.s32 s7, s5;
	s7 =	ssub.s32 s8, s30  }
0xd: {  	s31 =	smax.u32 s7, $0x1  }
0xe: {  	s6 =	sshll.u32 s6, $0x8;
	p0 =	sne.s32 s31, $0x1;
	v0 =	vadd.f32 $1.000000000e+00, v0  }
.Ltmp0:
0xf: {  	s5 =	sadd.s32 s6, s5;
	(pc) =	sbr.rel @!p0 .LBB2_2-.Ltmp0, $4  }
0x10: {  	s5 =	sadd.s32 $0x600, s5;
	[tilespmem:$0x0] =	vst v0  }
0x11: {  	[hbm4b:s5+s1] =	stream.linear.scatter [tilespmem:s1], [sflag:$0x1], $0x80, $0x38;
	[tilespmem:$0x80] =	vst v63  }
0x12: {  	_ =	swait.ge [sflag:s2], $0x80  }
0x13: {  	s6 =	sadd.s32 $0xFFFFFFFF, s31;
	[sflag:s2] =	ssyncset.done $0x0  }
.LBB2_1:
0x14: {  	p0 =	sne.s32 s6, $0x1;
	s6 =	sadd.s32 $0xFFFFFFFF, s6;
	[sflag:s2] =	ssyncadd.s32 $0xFFFFFF80  }
0x15: {  	[tilespmem:s1], [sflag:$0x1] =	stream.linear.gather [hbm4b:s3+s1], $0x10, $0x38;
	[tilespmem:$0x80] =	vst v63  }
0x16: {  	_ =	swait.ge [sflag:s2], $0x10  }
0x17: {  	[sflag:s2] =	ssyncset.done $0x0  }
0x18: {  	[sflag:s2] =	ssyncadd.s32 $0xFFFFFFF0  }
0x19: {  	v0 =	vld [tilespmem:$0x0];
	_ =	sdelay $0x4  }
0x1a: {  	v0 =	vadd.f32 $1.000000000e+00, v0  }
.Ltmp1:
0x1b: {  	(pc) =	sbr.rel @p0 .LBB2_1-.Ltmp1, $4  }
0x1c: {  	[tilespmem:$0x0] =	vst v0  }
0x1d: {  	[hbm4b:s5+s1] =	stream.linear.scatter [tilespmem:s1], [sflag:$0x1], $0x80, $0x38;
	[tilespmem:$0x80] =	vst v63  }
0x1e: {  	_ =	swait.ge [sflag:s2], $0x80  }
0x1f: {  	[sflag:s2] =	ssyncset.done $0x0  }
.LBB2_2:
0x20: {  	[sflag:s2] =	ssyncadd.s32 $0xFFFFFF80  }
0x21: {  	_ =	sfence.sel $0x180000  }
0x22: {  	[bflag:$0x0] =	sbarrier.arrive $0xFFFF  }
0x23: {  	p0 =	sne.s32 s4, $0x0;
	_ =	strace $0x90000047  }
0x24: {  	s0 =	sadd.s32 @!p0 $0x100000, s0;
	[bflag:$0x2] =	sbarrier.arrive $0xFFFF  }
0x25: {  	[sflag:s0] =	ssyncadd.tile.s32 @!p0 $0x1;
	_ =	shalt  }
.Lfunc_end2:
_tile_overlayer_lowered:
.L_overlay_start_2:
0x26: {  	(tag) =	ssettag $0x2  }
0x27: {  	s0 =	rddreg [dreg:$0x0];
	s2 =	stileid.u32  }
0x28: {  	s1 =	rddreg [dreg:$0x1];
	p0 =	sne.s32 s2, $0x0  }
0x29: {  	s3 =	rddreg [dreg:$0x2];
	[bflag:$0x3] =	sbarrier.arrive $0xFFFF;
	s2 =	simm.s32 @!p0 $0x1C01  }
0x2a: {  	[timem:s3], [sflag:s2] =	dma.local @!p0 [hbm:s0], s1  }
0x2b: {  	s0 =	simm.s32 @!p0 $0x1  }
0x2c: {  	_ =	swait.ge @!p0 [sflag:s0], s1  }
0x2d: {  	s1 =	ssub.s32 @!p0 $0x0, s1;
	[sflag:s0] =	ssyncset.done @!p0 $0x0  }
0x2e: {  	[sflag:s0] =	ssyncadd.s32 @!p0 s1  }
0x2f: {  	[bflag:$0x3] =	sbarrier.arrive $0xFFFF  }
0x30: {  	_ =	shalt  }

</sc_bundles>
